<compile_context>
chip_gen: v7x
topology: tpu7x:2x2x1
jax: 0.10.2.dev20260603
libtpu: 0.0.44.dev20260713+nightly
codegen_flags: <defaults>
</compile_context>

<pallas_src>
import functools

import jax
import jax.numpy as jnp
from jax import lax
from jax.experimental import pallas as pl
from jax.experimental.pallas import tpu as pltpu
from jax.experimental.pallas import tpu_sc as plsc

_H = 16
_K = 22
_N = 512
_M = 8 * 512 * 512
_MP = _M // 2
_NC, _NS = 2, 16
_NW = _NC * _NS
_PER_W = _MP // _NW
_CH = 1024
_NCH = _PER_W // _CH
_RB = 128

_mesh = plsc.VectorSubcoreMesh(core_axis_name="c", subcore_axis_name="s")


def _pair_kernel(dist_ref, s_ref, out_ref):
    x = dist_ref[...].astype(jnp.float32)
    p = jnp.dot(x, s_ref[...], preferred_element_type=jnp.float32)
    out_ref[...] = p.astype(jnp.int32)


@functools.partial(
    pl.kernel,
    mesh=_mesh,
    compiler_params=pltpu.CompilerParams(use_tc_tiling_on_sc=False),
    out_type=jax.ShapeDtypeStruct((_MP, 2 * _H), jnp.float32),
    scratch_types=[
        pltpu.VMEM_SHARED((_K * _K, 2 * _H), jnp.float32),
        pltpu.VMEM((_CH,), jnp.int32),
        pltpu.VMEM((_CH,), jnp.int32),
        pltpu.VMEM((_CH, 2 * _H), jnp.float32),
        pltpu.VMEM((_CH, 2 * _H), jnp.float32),
        pltpu.SemaphoreType.DMA,
        pltpu.SemaphoreType.DMA,
        pltpu.SemaphoreType.DMA,
        pltpu.SemaphoreType.DMA,
        pltpu.SemaphoreType.DMA,
    ],
)
def _sc_lookup(pidx_hbm, ptable_hbm, out_hbm, table_v, idx_v0, idx_v1,
               rows_v0, rows_v1, semg, semi0, semi1, semo0, semo1):
    sid = lax.axis_index("s")
    wid = sid * _NC + lax.axis_index("c")
    base = wid * _PER_W

    @pl.when(sid == 0)
    def _load_table():
        pltpu.sync_copy(ptable_hbm, table_v)

    plsc.subcore_barrier()

    pltpu.async_copy(pidx_hbm.at[pl.ds(base, _CH)], idx_v0, semi0)
    pltpu.async_copy(pidx_hbm.at[pl.ds(base + _CH, _CH)], idx_v1, semi1)

    def half_body(cc, idx_v, rows_v, semi, semo, first, last):
        off = base + cc * _CH
        pltpu.make_async_copy(
            pidx_hbm.at[pl.ds(off, _CH)], idx_v, semi).wait()

        @pl.when(jnp.logical_not(first))
        def _wait_prev_out():
            pltpu.make_async_copy(
                rows_v, out_hbm.at[pl.ds(off, _CH)], semo).wait()

        pltpu.async_copy(table_v.at[idx_v], rows_v, semg).wait()

        @pl.when(jnp.logical_not(last))
        def _prefetch_next_idx():
            pltpu.async_copy(
                pidx_hbm.at[pl.ds(off + 2 * _CH, _CH)], idx_v, semi)

        pltpu.async_copy(rows_v, out_hbm.at[pl.ds(off, _CH)], semo)

    def chunk_body(c2, carry):
        first = c2 == 0
        last = c2 == (_NCH // 2 - 1)
        half_body(c2 * 2, idx_v0, rows_v0, semi0, semo0, first, last)
        half_body(c2 * 2 + 1, idx_v1, rows_v1, semi1, semo1, first, last)
        return carry

    lax.fori_loop(0, _NCH // 2, chunk_body, 0)
    pltpu.make_async_copy(
        rows_v0, out_hbm.at[pl.ds(base, _CH)], semo0).wait()
    pltpu.make_async_copy(
        rows_v1, out_hbm.at[pl.ds(base, _CH)], semo1).wait()


def kernel(dist, table):
    B, N, _ = dist.shape
    table_eff = table.at[0].set(0.0)

    j = jnp.arange(_N)[:, None]
    k = jnp.arange(_N // 2)[None, :]
    s = (22.0 * (j == 2 * k) + 1.0 * (j == 2 * k + 1)).astype(jnp.float32)

    d2 = dist.reshape(B * N, N)
    pidx = pl.pallas_call(
        _pair_kernel,
        grid=((B * N) // _RB,),
        in_specs=[
            pl.BlockSpec((_RB, _N), lambda i: (i, 0)),
            pl.BlockSpec((_N, _N // 2), lambda i: (0, 0)),
        ],
        out_specs=pl.BlockSpec((_RB, _N // 2), lambda i: (i, 0)),
        out_shape=jax.ShapeDtypeStruct((B * N, _N // 2), jnp.int32),
    )(d2, s)

    ptable = jnp.concatenate(
        [
            jnp.repeat(table_eff, _K, axis=0),
            jnp.tile(table_eff, (_K, 1)),
        ],
        axis=1,
    )
    out = _sc_lookup(pidx.reshape(_MP), ptable)
    return out.reshape(B, N, N, _H)

# --- scband reference (transcript-rebuilt; emitter-appended) ---
"""Pipeline reference for scband-spatial-encoder-18562848653869 (READ-ONLY COPY).

The authoritative reference and input builder live on the scoring server;
editing this copy changes nothing except your own understanding.
"""

import jax, jax.numpy as jnp
import numpy as np

MAX_DIST = 20
NUM_HEADS = 16
B, N = 8, 512

def setup_inputs(seed: int = 0) -> dict:
    key = jax.random.key(seed)
    k1, k2 = jax.random.split(key)
    # dist holds already clamp(-1..max_dist)+1 shifted shortest-path distances -> valid indices [0, max_dist+1]
    dist = jax.random.randint(k1, (B, N, N), 0, MAX_DIST + 2, dtype=jnp.int32)
    table = jax.random.normal(k2, (MAX_DIST + 2, NUM_HEADS), dtype=jnp.float32)
    # padding_idx=0 semantics: row 0 is zero
    table = table.at[0].set(0.0)
    return {"dist": dist, "table": table}

def reference(dist, table):
    # enforce padding_idx=0 (row 0 contributes zeros)
    table_eff = table.at[0].set(0.0)
    # equivalent of self.embedding_table(dist) for each graph in the batch,
    # stacked to (B, N, N, H); all graphs padded to the same N so the
    # -inf padding region is empty here.
    out = jnp.take(table_eff, dist, axis=0)  # (B, N, N, H)
    return out

if __name__ == "__main__":
    import jax
    _d = setup_inputs()
    print(jax.jit(kernel)(*tuple(_d.values())))

</pallas_src>

<mosaic_0001>
#map = affine_map<(d0, d1) -> (0)>
#map1 = affine_map<(d0, d1) -> (0, 0)>
module attributes {stable_mosaic.version = 14 : i64} {
  func.func @_sc_lookup(%arg0: i32, %arg1: i32, %arg2: memref<1048576xi32, #tpu.memory_space<hbm>>, %arg3: memref<484x32xf32, #tpu.memory_space<hbm>>, %arg4: memref<1048576x32xf32, #tpu.memory_space<hbm>>, %arg5: memref<484x32xf32, #tpu.memory_space<vmem_shared>>, %arg6: memref<1024xi32, #tpu.memory_space<vmem>>, %arg7: memref<1024xi32, #tpu.memory_space<vmem>>, %arg8: memref<1024x32xf32, #tpu.memory_space<vmem>>, %arg9: memref<1024x32xf32, #tpu.memory_space<vmem>>, %arg10: memref<!tpu.dma_semaphore, #tpu.memory_space<semaphore_mem>>, %arg11: memref<!tpu.dma_semaphore, #tpu.memory_space<semaphore_mem>>, %arg12: memref<!tpu.dma_semaphore, #tpu.memory_space<semaphore_mem>>, %arg13: memref<!tpu.dma_semaphore, #tpu.memory_space<semaphore_mem>>, %arg14: memref<!tpu.dma_semaphore, #tpu.memory_space<semaphore_mem>>) attributes {dimension_semantics = [#tpu.dimension_semantics<core_parallel>, #tpu.dimension_semantics<subcore_parallel>], iteration_bounds = array<i64: 2, 16>, scalar_prefetch = 0 : i64, scratch_operands = 10 : i64, tpu.core_type = #tpu.core_type<sc_vector_subcore>, window_params = [{transform_indices = #map}, {transform_indices = #map1}, {transform_indices = #map1}]} {
    %mul3A = arith.constant 2 : i32
    %mul3A_0 = arith.muli %arg1, %mul3A : i32
    %add3A = arith.addi %mul3A_0, %arg0 : i32
    %mul3A_1 = arith.constant 32768 : i32
    %mul3A_2 = arith.muli %add3A, %mul3A_1 : i32
    %eq3A = arith.constant 0 : i32
    %eq3A_3 = arith.cmpi eq, %arg1, %eq3A : i32
    %convert_element_type3A = arith.extui %eq3A_3 : i1 to i32
    %cond3A = arith.constant 0 : i32
    %cond3A_4 = arith.cmpi ne, %convert_element_type3A, %cond3A : i32
    scf.if %cond3A_4 {
      "tpu.region"() ({
        %run_scoped3A = tpu.sem_alloc : memref<!tpu.dma_semaphore, #tpu.memory_space<semaphore_mem>>
        tpu.enqueue_dma source(%arg3 : memref<484x32xf32, #tpu.memory_space<hbm>>) target(%arg5 : memref<484x32xf32, #tpu.memory_space<vmem_shared>>) target_semaphore(%run_scoped3A : memref<!tpu.dma_semaphore, #tpu.memory_space<semaphore_mem>>)
        tpu.wait_dma2 semaphore(%run_scoped3A : memref<!tpu.dma_semaphore, #tpu.memory_space<semaphore_mem>>) src(%arg3 : memref<484x32xf32, #tpu.memory_space<hbm>>) dst(%arg5 : memref<484x32xf32, #tpu.memory_space<vmem_shared>>)
        tpu.yield
      }) : () -> ()
    } else {
    }
    %barrier3A = arith.constant 0 : index
    tpu.barrier barrier_id(%barrier3A)
    %dma_start3A = tpu.memref_slice %arg2[%mul3A_2] : memref<1048576xi32, #tpu.memory_space<hbm>> -> memref<1024xi32, #tpu.memory_space<hbm>>
    %dma_start3A_5 = tpu.memref_slice %arg2[%mul3A_2] : memref<1048576xi32, #tpu.memory_space<hbm>> -> memref<1024xi32, #tpu.memory_space<hbm>>
    tpu.enqueue_dma source(%dma_start3A_5 : memref<1024xi32, #tpu.memory_space<hbm>>) target(%arg6 : memref<1024xi32, #tpu.memory_space<vmem>>) target_semaphore(%arg11 : memref<!tpu.dma_semaphore, #tpu.memory_space<semaphore_mem>>)
    %add3A_6 = arith.constant 1024 : i32
    %add3A_7 = arith.addi %mul3A_2, %add3A_6 : i32
    %dma_start3A_8 = tpu.memref_slice %arg2[%add3A_7] : memref<1048576xi32, #tpu.memory_space<hbm>> -> memref<1024xi32, #tpu.memory_space<hbm>>
    %dma_start3A_9 = tpu.memref_slice %arg2[%add3A_7] : memref<1048576xi32, #tpu.memory_space<hbm>> -> memref<1024xi32, #tpu.memory_space<hbm>>
    tpu.enqueue_dma source(%dma_start3A_9 : memref<1024xi32, #tpu.memory_space<hbm>>) target(%arg7 : memref<1024xi32, #tpu.memory_space<vmem>>) target_semaphore(%arg12 : memref<!tpu.dma_semaphore, #tpu.memory_space<semaphore_mem>>)
    %scan3A = arith.constant 0 : i32
    %scan3A_10 = arith.constant 0 : i32
    %scan3A_11 = arith.constant 16 : i32
    %scan3A_12 = arith.addi %scan3A_10, %scan3A_11 : i32
    %scan3A_13 = arith.constant 1 : i32
    scf.for %scan3A_22 = %scan3A_10 to %scan3A_12 step %scan3A_13  : i32 {
      %eq3A_23 = arith.constant 0 : i32
      %eq3A_24 = arith.cmpi eq, %scan3A_22, %eq3A_23 : i32
      %eq3A_25 = arith.constant 15 : i32
      %eq3A_26 = arith.cmpi eq, %scan3A_22, %eq3A_25 : i32
      %mul3A_27 = arith.constant 2 : i32
      %mul3A_28 = arith.muli %scan3A_22, %mul3A_27 : i32
      %mul3A_29 = arith.constant 1024 : i32
      %mul3A_30 = arith.muli %mul3A_28, %mul3A_29 : i32
      %add3A_31 = arith.addi %mul3A_2, %mul3A_30 : i32
      %dma_wait3A_32 = tpu.memref_slice %arg2[%add3A_31] : memref<1048576xi32, #tpu.memory_space<hbm>> -> memref<1024xi32, #tpu.memory_space<hbm>>
      %dma_wait3A_33 = tpu.memref_slice %arg2[%add3A_31] : memref<1048576xi32, #tpu.memory_space<hbm>> -> memref<1024xi32, #tpu.memory_space<hbm>>
      tpu.wait_dma2 semaphore(%arg11 : memref<!tpu.dma_semaphore, #tpu.memory_space<semaphore_mem>>) src(%dma_wait3A_33 : memref<1024xi32, #tpu.memory_space<hbm>>) dst(%arg6 : memref<1024xi32, #tpu.memory_space<vmem>>)
      %not3A = arith.constant true
      %not3A_34 = arith.xori %eq3A_24, %not3A : i1
      %convert_element_type3A_35 = arith.extui %not3A_34 : i1 to i32
      %cond3A_36 = arith.constant 0 : i32
      %cond3A_37 = arith.cmpi ne, %convert_element_type3A_35, %cond3A_36 : i32
      scf.if %cond3A_37 {
        %dma_wait3A_82 = arith.constant 0 : i32
        %dma_wait3A_83 = tpu.memref_slice %arg4[%add3A_31, %dma_wait3A_82] : memref<1048576x32xf32, #tpu.memory_space<hbm>> -> memref<1024x32xf32, #tpu.memory_space<hbm>>
        %dma_wait3A_84 = arith.constant 0 : i32
        %dma_wait3A_85 = tpu.memref_slice %arg4[%add3A_31, %dma_wait3A_84] : memref<1048576x32xf32, #tpu.memory_space<hbm>> -> memref<1024x32xf32, #tpu.memory_space<hbm>>
        tpu.wait_dma2 semaphore(%arg13 : memref<!tpu.dma_semaphore, #tpu.memory_space<semaphore_mem>>) src(%arg8 : memref<1024x32xf32, #tpu.memory_space<vmem>>) dst(%dma_wait3A_85 : memref<1024x32xf32, #tpu.memory_space<hbm>>)
      } else {
      }
      %dma_start3A_38 = arith.constant 0 : i32
      %dma_start3A_39 = arith.constant 0 : i32
      %dma_start3A_40 = tpu.memref_slice %arg5[%dma_start3A_38, %dma_start3A_39] : memref<484x32xf32, #tpu.memory_space<vmem_shared>> -> memref<484x32xf32, #tpu.memory_space<vmem_shared>>
      tpu.enqueue_indirect_dma source(%dma_start3A_40 : memref<484x32xf32, #tpu.memory_space<vmem_shared>>) target(%arg8 : memref<1024x32xf32, #tpu.memory_space<vmem>>) offsets(%arg6 : memref<1024xi32, #tpu.memory_space<vmem>>) semaphore(%arg10 : memref<!tpu.dma_semaphore, #tpu.memory_space<semaphore_mem>>)
      %dma_wait3A_41 = arith.constant 0 : i32
      %dma_wait3A_42 = arith.constant 0 : i32
      %dma_wait3A_43 = tpu.memref_slice %arg5[%dma_wait3A_41, %dma_wait3A_42] : memref<484x32xf32, #tpu.memory_space<vmem_shared>> -> memref<484x32xf32, #tpu.memory_space<vmem_shared>>
      tpu.wait_indirect_dma semaphore(%arg10 : memref<!tpu.dma_semaphore, #tpu.memory_space<semaphore_mem>>) src(%dma_wait3A_43 : memref<484x32xf32, #tpu.memory_space<vmem_shared>>) dst(%arg8 : memref<1024x32xf32, #tpu.memory_space<vmem>>)
      %not3A_44 = arith.constant true
      %not3A_45 = arith.xori %eq3A_26, %not3A_44 : i1
      %convert_element_type3A_46 = arith.extui %not3A_45 : i1 to i32
      %cond3A_47 = arith.constant 0 : i32
      %cond3A_48 = arith.cmpi ne, %convert_element_type3A_46, %cond3A_47 : i32
      scf.if %cond3A_48 {
        %add3A_82 = arith.constant 2048 : i32
        %add3A_83 = arith.addi %add3A_31, %add3A_82 : i32
        %dma_start3A_84 = tpu.memref_slice %arg2[%add3A_83] : memref<1048576xi32, #tpu.memory_space<hbm>> -> memref<1024xi32, #tpu.memory_space<hbm>>
        %dma_start3A_85 = tpu.memref_slice %arg2[%add3A_83] : memref<1048576xi32, #tpu.memory_space<hbm>> -> memref<1024xi32, #tpu.memory_space<hbm>>
        tpu.enqueue_dma source(%dma_start3A_85 : memref<1024xi32, #tpu.memory_space<hbm>>) target(%arg6 : memref<1024xi32, #tpu.memory_space<vmem>>) target_semaphore(%arg11 : memref<!tpu.dma_semaphore, #tpu.memory_space<semaphore_mem>>)
      } else {
      }
      %dma_start3A_49 = arith.constant 0 : i32
      %dma_start3A_50 = tpu.memref_slice %arg4[%add3A_31, %dma_start3A_49] : memref<1048576x32xf32, #tpu.memory_space<hbm>> -> memref<1024x32xf32, #tpu.memory_space<hbm>>
      %dma_start3A_51 = arith.constant 0 : i32
      %dma_start3A_52 = tpu.memref_slice %arg4[%add3A_31, %dma_start3A_51] : memref<1048576x32xf32, #tpu.memory_space<hbm>> -> memref<1024x32xf32, #tpu.memory_space<hbm>>
      tpu.enqueue_dma source(%arg8 : memref<1024x32xf32, #tpu.memory_space<vmem>>) target(%dma_start3A_52 : memref<1024x32xf32, #tpu.memory_space<hbm>>) target_semaphore(%arg13 : memref<!tpu.dma_semaphore, #tpu.memory_space<semaphore_mem>>)
      %mul3A_53 = arith.constant 2 : i32
      %mul3A_54 = arith.muli %scan3A_22, %mul3A_53 : i32
      %add3A_55 = arith.constant 1 : i32
      %add3A_56 = arith.addi %mul3A_54, %add3A_55 : i32
      %mul3A_57 = arith.constant 1024 : i32
      %mul3A_58 = arith.muli %add3A_56, %mul3A_57 : i32
      %add3A_59 = arith.addi %mul3A_2, %mul3A_58 : i32
      %dma_wait3A_60 = tpu.memref_slice %arg2[%add3A_59] : memref<1048576xi32, #tpu.memory_space<hbm>> -> memref<1024xi32, #tpu.memory_space<hbm>>
      %dma_wait3A_61 = tpu.memref_slice %arg2[%add3A_59] : memref<1048576xi32, #tpu.memory_space<hbm>> -> memref<1024xi32, #tpu.memory_space<hbm>>
      tpu.wait_dma2 semaphore(%arg12 : memref<!tpu.dma_semaphore, #tpu.memory_space<semaphore_mem>>) src(%dma_wait3A_61 : memref<1024xi32, #tpu.memory_space<hbm>>) dst(%arg7 : memref<1024xi32, #tpu.memory_space<vmem>>)
      %not3A_62 = arith.constant true
      %not3A_63 = arith.xori %eq3A_24, %not3A_62 : i1
      %convert_element_type3A_64 = arith.extui %not3A_63 : i1 to i32
      %cond3A_65 = arith.constant 0 : i32
      %cond3A_66 = arith.cmpi ne, %convert_element_type3A_64, %cond3A_65 : i32
      scf.if %cond3A_66 {
        %dma_wait3A_82 = arith.constant 0 : i32
        %dma_wait3A_83 = tpu.memref_slice %arg4[%add3A_59, %dma_wait3A_82] : memref<1048576x32xf32, #tpu.memory_space<hbm>> -> memref<1024x32xf32, #tpu.memory_space<hbm>>
        %dma_wait3A_84 = arith.constant 0 : i32
        %dma_wait3A_85 = tpu.memref_slice %arg4[%add3A_59, %dma_wait3A_84] : memref<1048576x32xf32, #tpu.memory_space<hbm>> -> memref<1024x32xf32, #tpu.memory_space<hbm>>
        tpu.wait_dma2 semaphore(%arg14 : memref<!tpu.dma_semaphore, #tpu.memory_space<semaphore_mem>>) src(%arg9 : memref<1024x32xf32, #tpu.memory_space<vmem>>) dst(%dma_wait3A_85 : memref<1024x32xf32, #tpu.memory_space<hbm>>)
      } else {
      }
      %dma_start3A_67 = arith.constant 0 : i32
      %dma_start3A_68 = arith.constant 0 : i32
      %dma_start3A_69 = tpu.memref_slice %arg5[%dma_start3A_67, %dma_start3A_68] : memref<484x32xf32, #tpu.memory_space<vmem_shared>> -> memref<484x32xf32, #tpu.memory_space<vmem_shared>>
      tpu.enqueue_indirect_dma source(%dma_start3A_69 : memref<484x32xf32, #tpu.memory_space<vmem_shared>>) target(%arg9 : memref<1024x32xf32, #tpu.memory_space<vmem>>) offsets(%arg7 : memref<1024xi32, #tpu.memory_space<vmem>>) semaphore(%arg10 : memref<!tpu.dma_semaphore, #tpu.memory_space<semaphore_mem>>)
      %dma_wait3A_70 = arith.constant 0 : i32
      %dma_wait3A_71 = arith.constant 0 : i32
      %dma_wait3A_72 = tpu.memref_slice %arg5[%dma_wait3A_70, %dma_wait3A_71] : memref<484x32xf32, #tpu.memory_space<vmem_shared>> -> memref<484x32xf32, #tpu.memory_space<vmem_shared>>
      tpu.wait_indirect_dma semaphore(%arg10 : memref<!tpu.dma_semaphore, #tpu.memory_space<semaphore_mem>>) src(%dma_wait3A_72 : memref<484x32xf32, #tpu.memory_space<vmem_shared>>) dst(%arg9 : memref<1024x32xf32, #tpu.memory_space<vmem>>)
      %not3A_73 = arith.constant true
      %not3A_74 = arith.xori %eq3A_26, %not3A_73 : i1
      %convert_element_type3A_75 = arith.extui %not3A_74 : i1 to i32
      %cond3A_76 = arith.constant 0 : i32
      %cond3A_77 = arith.cmpi ne, %convert_element_type3A_75, %cond3A_76 : i32
      scf.if %cond3A_77 {
        %add3A_82 = arith.constant 2048 : i32
        %add3A_83 = arith.addi %add3A_59, %add3A_82 : i32
        %dma_start3A_84 = tpu.memref_slice %arg2[%add3A_83] : memref<1048576xi32, #tpu.memory_space<hbm>> -> memref<1024xi32, #tpu.memory_space<hbm>>
        %dma_start3A_85 = tpu.memref_slice %arg2[%add3A_83] : memref<1048576xi32, #tpu.memory_space<hbm>> -> memref<1024xi32, #tpu.memory_space<hbm>>
        tpu.enqueue_dma source(%dma_start3A_85 : memref<1024xi32, #tpu.memory_space<hbm>>) target(%arg7 : memref<1024xi32, #tpu.memory_space<vmem>>) target_semaphore(%arg12 : memref<!tpu.dma_semaphore, #tpu.memory_space<semaphore_mem>>)
      } else {
      }
      %dma_start3A_78 = arith.constant 0 : i32
      %dma_start3A_79 = tpu.memref_slice %arg4[%add3A_59, %dma_start3A_78] : memref<1048576x32xf32, #tpu.memory_space<hbm>> -> memref<1024x32xf32, #tpu.memory_space<hbm>>
      %dma_start3A_80 = arith.constant 0 : i32
      %dma_start3A_81 = tpu.memref_slice %arg4[%add3A_59, %dma_start3A_80] : memref<1048576x32xf32, #tpu.memory_space<hbm>> -> memref<1024x32xf32, #tpu.memory_space<hbm>>
      tpu.enqueue_dma source(%arg9 : memref<1024x32xf32, #tpu.memory_space<vmem>>) target(%dma_start3A_81 : memref<1024x32xf32, #tpu.memory_space<hbm>>) target_semaphore(%arg14 : memref<!tpu.dma_semaphore, #tpu.memory_space<semaphore_mem>>)
    }
    %scan3A_14 = arith.constant 16 : i32
    %dma_wait3A = arith.constant 0 : i32
    %dma_wait3A_15 = tpu.memref_slice %arg4[%mul3A_2, %dma_wait3A] : memref<1048576x32xf32, #tpu.memory_space<hbm>> -> memref<1024x32xf32, #tpu.memory_space<hbm>>
    %dma_wait3A_16 = arith.constant 0 : i32
    %dma_wait3A_17 = tpu.memref_slice %arg4[%mul3A_2, %dma_wait3A_16] : memref<1048576x32xf32, #tpu.memory_space<hbm>> -> memref<1024x32xf32, #tpu.memory_space<hbm>>
    tpu.wait_dma2 semaphore(%arg13 : memref<!tpu.dma_semaphore, #tpu.memory_space<semaphore_mem>>) src(%arg8 : memref<1024x32xf32, #tpu.memory_space<vmem>>) dst(%dma_wait3A_17 : memref<1024x32xf32, #tpu.memory_space<hbm>>)
    %dma_wait3A_18 = arith.constant 0 : i32
    %dma_wait3A_19 = tpu.memref_slice %arg4[%mul3A_2, %dma_wait3A_18] : memref<1048576x32xf32, #tpu.memory_space<hbm>> -> memref<1024x32xf32, #tpu.memory_space<hbm>>
    %dma_wait3A_20 = arith.constant 0 : i32
    %dma_wait3A_21 = tpu.memref_slice %arg4[%mul3A_2, %dma_wait3A_20] : memref<1048576x32xf32, #tpu.memory_space<hbm>> -> memref<1024x32xf32, #tpu.memory_space<hbm>>
    tpu.wait_dma2 semaphore(%arg14 : memref<!tpu.dma_semaphore, #tpu.memory_space<semaphore_mem>>) src(%arg9 : memref<1024x32xf32, #tpu.memory_space<vmem>>) dst(%dma_wait3A_21 : memref<1024x32xf32, #tpu.memory_space<hbm>>)
    return
  }
}

module attributes {stable_mosaic.version = 14 : i64} {
  func.func @_pair_kernel(%arg0: i32, %arg1: memref<128x512xi32, #tpu.memory_space<vmem>>, %arg2: memref<512x256xf32, #tpu.memory_space<vmem>>, %arg3: memref<128x256xi32, #tpu.memory_space<vmem>>) attributes {dimension_semantics = [#tpu.dimension_semantics<arbitrary>], iteration_bounds = array<i64: 32>, scalar_prefetch = 0 : i64, scratch_operands = 0 : i64, tpu.core_type = #tpu.core_type<tc>, window_params = [{transform_indices = @transform_0, window_bounds = array<i64: 128, 512>}, {pipeline_mode = #tpu.pipeline_mode<synchronous>, transform_indices = @transform_1, window_bounds = array<i64: 512, 256>}, {transform_indices = @transform_2, window_bounds = array<i64: 128, 256>}]} {
    %get3A = arith.constant 0 : index
    %get3A_0 = arith.constant 0 : index
    %get3A_1 = vector.load %arg1[%get3A, %get3A_0] : memref<128x512xi32, #tpu.memory_space<vmem>>, vector<128x512xi32>
    %convert_element_type3A = arith.sitofp %get3A_1 : vector<128x512xi32> to vector<128x512xf32>
    %get3A_2 = arith.constant 0 : index
    %get3A_3 = arith.constant 0 : index
    %get3A_4 = vector.load %arg2[%get3A_2, %get3A_3] : memref<512x256xf32, #tpu.memory_space<vmem>>, vector<512x256xf32>
    %dot_general3A = arith.constant dense<0.000000e+00> : vector<128x256xf32>
    %dot_general3A_5 = tpu.matmul %convert_element_type3A, %get3A_4, %dot_general3A {dimension_numbers = #tpu.dot_dimension_numbers<[1], [0], [0], [1], [0, 0, 1, 1], [], []>, transpose_lhs_hint = false} : vector<128x512xf32>, vector<512x256xf32>, vector<128x256xf32> -> vector<128x256xf32>
    %convert_element_type3A_6 = arith.fptosi %dot_general3A_5 : vector<128x256xf32> to vector<128x256xi32>
    %swap3A = arith.constant 0 : index
    %swap3A_7 = arith.constant 0 : index
    %swap3A_8 = vector.load %arg3[%swap3A, %swap3A_7] : memref<128x256xi32, #tpu.memory_space<vmem>>, vector<128x256xi32>
    tpu.vector_store %arg3[%swap3A, %swap3A_7], %convert_element_type3A_6 {strides = array<i32>} : memref<128x256xi32, #tpu.memory_space<vmem>>, vector<128x256xi32>,
    return
  }
  func.func @transform_0(%arg0: i32) -> (i32, i32) {
    %c0_i32 = arith.constant 0 : i32
    %c0_i32_0 = arith.constant 0 : i32
    return %arg0, %c0_i32 : i32, i32
  }
  func.func @transform_1(%arg0: i32) -> (i32, i32) {
    %c0_i32 = arith.constant 0 : i32
    %c0_i32_0 = arith.constant 0 : i32
    %c0_i32_1 = arith.constant 0 : i32
    return %c0_i32, %c0_i32_0 : i32, i32
  }
  func.func @transform_2(%arg0: i32) -> (i32, i32) {
    %c0_i32 = arith.constant 0 : i32
    %c0_i32_0 = arith.constant 0 : i32
    return %arg0, %c0_i32 : i32, i32
  }
}

</mosaic_0001>

<sc_bundles>
// kernel: kernel.4.cloned.1.call-start
scs
__scs_entry_jumppad:
0x0: {  	(pc) =	sbr.rel $0x88, $3  }
0x1: {  	(tag) =	ssettag $0x0;
	lr =	simm.s32 $0x1  }
0x2: {  	[smem:$0x3F9F] =	sst lr;
	_ =	strace $0xD0000000  }
0x3: {  	_ = 	snop  }
0x4: {  	_ = 	snop  }
0x5: {  	_ = 	snop  }
0x6: {  	_ = 	snop  }
0x7: {  	_ = 	snop  }
__scs_overlays_trampoline_lowered:
0x8: {  	[smem:$0x3FAE] =	sst s0  }
0x9: {  	[smem:$0x3FAF] =	sst s1  }
0xa: {  	[smem:$0x3FB0] =	sst s2  }
0xb: {  	[smem:$0x3FB1] =	sst s3  }
0xc: {  	[smem:$0x3FB2] =	sst s4  }
0xd: {  	[smem:$0x3FB3] =	sst s5  }
0xe: {  	[smem:$0x3FB4] =	sst s6  }
0xf: {  	[smem:$0x3FB5] =	sst s7  }
0x10: {  	[smem:$0x3FB6] =	sst s8  }
0x11: {  	[smem:$0x3FB7] =	sst s9;
	s0 =	simm.s32 @!p0 $0x0  }
0x12: {  	s1 =	sld [smem:$0x3F9D];
	s0 =	simm.s32 @p0 $0x1  }
0x13: {  	[smem:$0x3FB8] =	sst s0;
	s0 =	simm.s32 @!p1 $0x0  }
0x14: {  	s2 =	sld [smem:$0x3F9C];
	s0 =	simm.s32 @p1 $0x1  }
0x15: {  	[smem:$0x3FB9] =	sst s0;
	s0 =	simm.s32 @!p2 $0x0  }
0x16: {  	s3 =	sld [smem:$0x3FDB];
	s0 =	simm.s32 @p2 $0x1  }
0x17: {  	s4 =	simm.s32 $0x1BF5;
	[smem:$0x3FBB] =	sst s0  }
0x18: {  	s0 =	sld [smem:$0x3F9E];
	_ =	swait.ge [sflag:s4], $0x0  }
0x19: {  	s7 =	sld [smem:$0x3F9F]  }
0x1a: {  	s8 =	sadd.s32 $0xFFFFE003, lr  }
0x1b: {  	s9 =	sadd.s32 $0xFFFFFEF7, lr;
	s5 =	simm.s32 $0xFFFFFFFF;
	p2 =	slt.u32 s8, $0xFFFFF086  }
0x1c: {  	p1 =	slt.u32 s9, $0xF7A;
	s5 =	simm.s32 @!p2 $0x0  }
0x1d: {  	s5 =	simm.s32 @p1 $0x1;
	p0 =	seq.s32 s7, s2  }
0x1e: {  	s7 =	smul.u32 @!p0 $0xF7A, s2;
	p2 =	seq.s32 @!p0 s5, $0x0  }
0x1f: {  	s9 =	smul.u32 $0xF7A, s1;
	s8 =	simm.s32 @!p0 $0x1BF5;
	p2 =	por !p2, p0  }
0x20: {  	[sflag:s8] =	ssyncset.s32 @!p0 $0xFFFFF086;
	s6 =	sadd.s32 @!p0 s3, s7;
	s7 =	simm.s32 @!p0 $0x108  }
0x21: {  	s3 =	sadd.s32 s3, s9;
	s6 =	sadd.s32 @!p0 $0x88, s6;
	s7 =	simm.s32 @p2 $0x1082  }
0x22: {  	[simem:s7], [sflag:s8] =	dma.local @!p0 [hbm:s6], $0xF7A  }
0x23: {  	s9 =	sor.u32 $0xD0000000, s2;
	s6 =	simm.s32 $0x108;
	_ =	swait.ge @!p0 [sflag:s8], $0x0  }
0x24: {  	s3 =	sadd.s32 $0x88, s3;
	s6 =	simm.s32 @!p1 $0x1082;
	[sflag:s4] =	ssyncset.s32 $0xFFFFF086  }
0x25: {  	[simem:s6], [sflag:s4] =	dma.local [hbm:s3], $0xF7A  }
0x26: {  	[smem:$0x3F9F] =	sst s1;
	(tag) =	ssettag s2;
	_ =	strace s9  }
0x27: {  	s1 =	sld [smem:$0x3FAF]  }
0x28: {  	s2 =	sld [smem:$0x3FB0]  }
0x29: {  	s4 =	sld [smem:$0x3FB2]  }
0x2a: {  	p0 =	seq.s32 s5, $0x0;
	s5 =	sld [smem:$0x3FB3]  }
0x2b: {  	s6 =	sld [smem:$0x3FB4]  }
0x2c: {  	s7 =	sld [smem:$0x3FB5]  }
0x2d: {  	s3 =	simm.s32 $0x108;
	s8 =	sld [smem:$0x3FB6]  }
0x2e: {  	s3 =	simm.s32 @!p0 $0x1082;
	s9 =	sld [smem:$0x3FB7]  }
0x2f: {  	lr =	sadd.s32 s0, s3;
	s0 =	sld [smem:$0x3FAE]  }
0x30: {  	s3 =	sld [smem:$0x3FB1]  }
0x31: {  	[smem:$0x3FBA] =	sst s10  }
0x32: {  	s10 =	sld [smem:$0x3FB8];
	_ =	sdelay $0x3  }
0x33: {  	p0 =	seq.s32 s10, $0x1;
	s10 =	sld [smem:$0x3FBA];
	_ =	sdelay $0x3  }
0x34: {  	[smem:$0x3FBA] =	sst s10  }
0x35: {  	s10 =	sld [smem:$0x3FB9];
	_ =	sdelay $0x3  }
0x36: {  	p1 =	seq.s32 s10, $0x1;
	s10 =	sld [smem:$0x3FBA];
	_ =	sdelay $0x3  }
0x37: {  	[smem:$0x3FBA] =	sst s10  }
0x38: {  	s10 =	sld [smem:$0x3FBB]  }
0x39: {  	_ = 	snop;
	(pc) =	sbr.ind lr, $3  }
0x3a: {  	_ = 	snop  }
0x3b: {  	_ = 	snop  }
0x3c: {  	p2 =	seq.s32 s10, $0x1;
	s10 =	sld [smem:$0x3FBA]  }
0x3d: {  	_ =	shalt  }
0x3e: {  	_ =	shalt  }
0x3f: {  	_ =	shalt  }
0x40: {  	_ =	shalt  }
0x41: {  	_ =	shalt  }
0x42: {  	_ =	shalt  }
0x43: {  	_ =	shalt  }
0x44: {  	_ =	shalt  }
0x45: {  	_ =	shalt  }
0x46: {  	_ =	shalt  }
0x47: {  	_ =	shalt  }
0x48: {  	_ =	shalt  }
0x49: {  	_ =	shalt  }
0x4a: {  	_ =	shalt  }
0x4b: {  	_ =	shalt  }
0x4c: {  	_ =	shalt  }
0x4d: {  	_ =	shalt  }
0x4e: {  	_ =	shalt  }
0x4f: {  	_ =	shalt  }
0x50: {  	_ =	shalt  }
0x51: {  	_ =	shalt  }
0x52: {  	_ =	shalt  }
0x53: {  	_ =	shalt  }
0x54: {  	_ =	shalt  }
0x55: {  	_ =	shalt  }
0x56: {  	_ =	shalt  }
0x57: {  	_ =	shalt  }
0x58: {  	_ =	shalt  }
0x59: {  	_ =	shalt  }
0x5a: {  	_ =	shalt  }
0x5b: {  	_ =	shalt  }
0x5c: {  	_ =	shalt  }
0x5d: {  	_ =	shalt  }
0x5e: {  	_ =	shalt  }
0x5f: {  	_ =	shalt  }
0x60: {  	_ =	shalt  }
0x61: {  	_ =	shalt  }
0x62: {  	_ =	shalt  }
0x63: {  	_ =	shalt  }
0x64: {  	_ =	shalt  }
0x65: {  	_ =	shalt  }
0x66: {  	_ =	shalt  }
0x67: {  	_ =	shalt  }
0x68: {  	_ =	shalt  }
0x69: {  	_ =	shalt  }
0x6a: {  	_ =	shalt  }
0x6b: {  	_ =	shalt  }
0x6c: {  	_ =	shalt  }
0x6d: {  	_ =	shalt  }
0x6e: {  	_ =	shalt  }
0x6f: {  	_ =	shalt  }
0x70: {  	_ =	shalt  }
0x71: {  	_ =	shalt  }
0x72: {  	_ =	shalt  }
0x73: {  	_ =	shalt  }
0x74: {  	_ =	shalt  }
0x75: {  	_ =	shalt  }
0x76: {  	_ =	shalt  }
0x77: {  	_ =	shalt  }
0x78: {  	_ =	shalt  }
0x79: {  	_ =	shalt  }
0x7a: {  	_ =	shalt  }
0x7b: {  	_ =	shalt  }
0x7c: {  	_ =	shalt  }
0x7d: {  	_ =	shalt  }
0x7e: {  	_ =	shalt  }
0x7f: {  	_ =	shalt  }
0x80: {  	_ =	shalt  }
0x81: {  	_ =	shalt  }
0x82: {  	_ =	shalt  }
0x83: {  	_ =	shalt  }
0x84: {  	_ =	shalt  }
0x85: {  	_ =	shalt  }
0x86: {  	_ =	shalt  }
0x87: {  	_ =	shalt  }
.Lfunc_end0:
.L_simem_size_0:
called_computation.1_lowered:
.L_overlay_start_0:
0x88: {  	s2 =	sld [smem:$0x3FD9]  }
0x89: {  	s3 =	sld [smem:$0x3FFE];
	_ =	sdelay $0x1  }
0x8a: {  	s1 =	srdreg.scid  }
0x8b: {  	s0 =	sand.u32 $0x1, s1  }
0x8c: {  	s17 =	sshll.u32 s0, $0xA;
	s2 =	sadd.s32 s3, s2  }
0x8d: {  	s2 =	sadd.s32 s2, s17  }
0x8e: {  	[smem:$0x3FC6] =	sst s2  }
0x8f: {  	_ = 	snop  }
0x90: {  	s2 =	sld [smem:$0x3FD0];
	(tm) =	ssettm $0x1  }
0x91: {  	s18 =	sld [smem:$0x3FFB];
	_ =	sdelay $0x3  }
0x92: {  	_ =	strace s18  }
0x93: {  	s3 =	sld [smem:$0x3FFC];
	_ =	sdelay $0x3  }
0x94: {  	_ =	strace s3  }
0x95: {  	s3 =	sld [smem:$0x3FFD];
	_ =	sdelay $0x3  }
0x96: {  	_ =	strace s3  }
0x97: {  	_ =	strace $0x8FFFFFFF  }
0x98: {  	s19 =	sld [smem:$0x3FDB];
	_ =	sdelay $0x1  }
0x99: {  	s4 =	simm.s32 $_scs_section_size  }
0x9a: {  	s5 =	simm.s32 $_size__tile_overlayer_lowered;
	s6 =	simm.s32 $_tile_overlayer_lowered  }
0x9b: {  	s22 =	simm.s32 $0x1BFF;
	s21 =	sshll.u32 s6, $0x1;
	s3 =	sadd.s32 s4, s19  }
0x9c: {  	s7 =	simm.s32 $0x0;
	s20 =	sshll.u32 s5, $0x1;
	s5 =	sadd.s32 s21, s3  }
0x9d: {  	[timem:s7], [sflag:s22] =	dma.local [hbm:s5], s20  }
0x9e: {  	_ =	swait.ge [sflag:s22], s20  }
0x9f: {  	s4 =	ssub.s32 $0x0, s20;
	[sflag:s22] =	ssyncset.done $0x0  }
0xa0: {  	[sflag:s22] =	ssyncadd.s32 s4;
	_ =	sdelay $0x1  }
0xa1: {  	s23 =	simm.s32 $0x1B8B  }
0xa2: {  	_ =	swait.ge [sflag:s23], $0x1  }
0xa3: {  	[sflag:s23] =	ssyncset.done $0x0  }
0xa4: {  	s25 =	simm.s32 $0x1B8E;
	s24 =	sld [smem:$0x3FFE];
	[sflag:s23] =	ssyncadd.s32 $0xFFFFFFFF  }
0xa5: {  	s26 =	simm.s32 $execute0_lowered;
	[smem:$0x3FD2] =	sst s25  }
0xa6: {  	s5 =	sshll.u32 s26, $0x1;
	_ =	strace $0x80000046;
	[dreg:$0x1] =	wrdreg $0xFFFFFFFF  }
0xa7: {  	s28 =	simm.s32 $_size_execute0_lowered;
	s3 =	sadd.s32 s3, s5;
	[dreg:$0x0] =	wrdreg $0x0  }
0xa8: {  	s5 =	sshll.u32 s28, $0x1;
	[dreg:$0x2] =	wrdreg s3  }
0xa9: {  	[dreg:$0x3] =	wrdreg s5  }
0xaa: {  	[dreg:$0x4] =	wrdreg $0xC0  }
0xab: {  	_ =	task [dreg:s7], $0x5FFFF  }
0xac: {  	[dreg:$0x1] =	wrdreg $0xFFFFFFFF  }
0xad: {  	[dreg:$0x0] =	wrdreg $0x60  }
0xae: {  	[dreg:$0x2] =	wrdreg s24  }
0xaf: {  	[dreg:$0x3] =	wrdreg s2  }
0xb0: {  	[dreg:$0x4] =	wrdreg $0x0  }
0xb1: {  	[dreg:$0x5] =	wrdreg $0x9  }
0xb2: {  	_ =	task.clear_ibuf [dreg:s7], $0x6FFFF;
	_ =	strace $0x90000046  }
0xb3: {  	s29 =	simm.s32 $0x9;
	_ =	strace $0x80000048  }
0xb4: {  	_ =	swait.ge [sflag:s29], $0x1  }
0xb5: {  	[sflag:s29] =	ssyncadd.s32 $0xFFFFFFFF  }
0xb6: {  	_ =	strace $0x90000048  }
0xb7: {  	_ =	sfence  }
0xb8: {  	s30 =	sld [smem:$0x0];
	_ =	sdelay $0x2  }
0xb9: {  	s31 =	sshll.u32 s1, $0xD;
	s1 =	sshrl.u32 s1, $0x2  }
0xba: {  	s3 =	sand.u32 $0x4000, s31;
	s1 =	sadd.s32 s1, s30  }
0xbb: {  	s0 =	sor.u32 s3, s0;
	s1 =	sshll.u32 s1, $0x11  }
0xbc: {  	s0 =	sor.u32 s1, s0  }
0xbd: {  	s0 =	sadd.s32 $0x8F2B, s0  }
0xbe: {  	[sflag:s0] =	ssyncadd.remote.s32 $0x1  }
0xbf: {  	_ =	sfence.sel $0xFFFF  }
0xc0: {  	[dreg:$0x0] =	wrdreg $0xFFFFFFFF;
	(pc) =	sbr.abs _section_cstart, $3  }
0xc1: {  	[dreg:$0x1] =	wrdreg $0xFFFFFFFF  }
0xc2: {  	_ =	task.clear_ibuf [dreg:s7], $0x2FFFF;
	_ =	strace $0x9FFFFFFF  }
0xc3: {  	(tm) =	ssettm $0x7FFFFFFF  }
tec
execute0_lowered:
.L_overlay_start_1:
0x0: {  	(tag) =	ssettag $0x1  }
0x1: {  	s3 =	rddreg [dreg:$0x0]  }
0x2: {  	s13 =	rddreg [dreg:$0x1]  }
0x3: {  	s1 =	rddreg [dreg:$0x2];
	s4 =	srdreg.scid;
	s2 =	simm.s32 $0x0  }
0x4: {  	s16 =	stileid.u32;
	s20 =	simm.s32 $0x400;
	s21 =	simm.s32 $0xBC8  }
0x5: {  	s22 =	simm.s32 $0x1;
	s23 =	simm.s32 $0x3;
	s24 =	simm.s32 $0x8BC8  }
0x6: {  	s25 =	simm.s32 $0x4;
	s26 =	simm.s32 $0x5;
	s28 =	simm.s32 $0x0  }
0x7: {  	s14 =	sand.u32 $0x1, s4;
	[smem:$0x7FF] =	sst s2;
	s30 =	sshll.u32 s16, $0x10  }
0x8: {  	s17 =	sadd.s32 $0x1400, s3;
	s0 =	sadd.s32 $0xC00, s3;
	s19 =	sshll.u32 s16, $0x12  }
0x9: {  	p0 =	sne.s32 s16, $0x0;
	s5 =	sshll.u32 s14, $0xF;
	_ =	strace $0x80000047  }
0xa: {  	s6 =	ssub.s32 $0x2, s14;
	[dreg:$0x4] =	wrdreg s0;
	s19 =	sadd.s32 s19, s13  }
0xb: {  	s14 =	sshll.u32 s14, $0x11;
	s16 =	sshrl.u32 @!p0 s1, $0x3;
	s15 =	sor.u32 s5, s30  }
0xc: {  	s31 =	sshrl.u32 s6, $0x1;
	s14 =	sadd.s32 s14, s19;
	s19 =	simm.s32 $0x2  }
0xd: {  	s5 =	sshrl.u32 s15, $0x3;
	s6 =	ssub.s32 s6, s31;
	s8 =	sshll.u32 s15, $0x2  }
0xe: {  	s18 =	sor.u32 $0x1400, s15;
	s15 =	sor.u32 $0x1000, s15;
	s14 =	sadd.s32 $0x3000, s14  }
0xf: {  	s4 =	sadd.s32 s17, s5;
	s6 =	smax.u32 s6, $0x1;
	s8 =	sadd.s32 s13, s8  }
0x10: {  	s18 =	sshrl.u32 s18, $0x3;
	s15 =	sshrl.u32 s15, $0x3;
	s5 =	sadd.s32 $0x80, s4  }
0x11: {  	s7 =	sadd.s32 $0x100, s4;
	s9 =	sadd.s32 $0x180, s4;
	s10 =	sadd.s32 $0x1000, s8  }
0x12: {  	s11 =	sadd.s32 $0x1E000, s8;
	s12 =	sadd.s32 $0x1F000, s8;
	s13 =	sadd.s32 s18, s17  }
0x13: {  	s15 =	sadd.s32 s15, s17;
	s17 =	simm.s32 $0x3C8;
	s18 =	simm.s32 $0x7C8  }
.LBB2_1:
0x14: {  	s29 =	simm.s32 @!p0 $0x1C06;
	s0 =	rddreg [dreg:$0x4]  }
0x15: {  	[spmem:s16], [sflag:s29] =	dma.local @!p0 [hbm:s0], $0x790  }
0x16: {  	s29 =	simm.s32 @!p0 $0x6  }
0x17: {  	_ =	swait.ge @!p0 [sflag:s29], $0x790  }
0x18: {  	[sflag:s29] =	ssyncset.done @!p0 $0x0  }
0x19: {  	[sflag:s29] =	ssyncadd.s32 @!p0 $0xFFFFF870  }
0x1a: {  	[bflag:$0x0] =	sbarrier.arrive $0xFFFF  }
0x1b: {  	[tilespmem:s17], [sflag:$0x2] =	stream.linear.gather [hbm4b:s4+s2], $0x400, $0x38;
	[tilespmem:$0x10BC8] =	vst v63  }
0x1c: {  	_ = 	snop  }
0x1d: {  	[tilespmem:s18], [sflag:$0x3] =	stream.linear.gather [hbm4b:s5+s2], $0x400, $0x38;
	[tilespmem:$0x10BC8] =	vst v63  }
0x1e: {  	_ =	swait.ge [sflag:s19], $0x400  }
0x1f: {  	[sflag:s19] =	ssyncset.done $0x0  }
0x20: {  	[sflag:s19] =	ssyncadd.s32 $0xFFFFFC00  }
0x21: {  	[tilespmem:s21], [sflag:$0x1] =	stream.indirect.gather [spmem:s1], $0x20, s17, s20, $0xb8;
	[tilespmem:$0x10BC8] =	vst v63  }
0x22: {  	_ =	swait.ge [sflag:s22], $0x8000  }
0x23: {  	[sflag:s22] =	ssyncset.done $0x0  }
0x24: {  	[sflag:s22] =	ssyncadd.s32 $0xFFFF8000  }
0x25: {  	[tilespmem:s17], [sflag:$0x2] =	stream.linear.gather [hbm4b:s7+s2], $0x400, $0x38;
	[tilespmem:$0x10BC8] =	vst v63  }
0x26: {  	_ = 	snop  }
0x27: {  	[hbm4b:s8+s2] =	stream.linear.scatter [tilespmem:s21], [sflag:$0x4], $0x8000, $0x38;
	[tilespmem:$0x10BC8] =	vst v63  }
0x28: {  	_ =	swait.ge [sflag:s23], $0x400  }
0x29: {  	[sflag:s23] =	ssyncset.done $0x0  }
0x2a: {  	[sflag:s23] =	ssyncadd.s32 $0xFFFFFC00  }
0x2b: {  	[tilespmem:s24], [sflag:$0x1] =	stream.indirect.gather [spmem:s1], $0x20, s18, s20, $0xb8;
	[tilespmem:$0x10BC8] =	vst v63  }
0x2c: {  	_ =	swait.ge [sflag:s22], $0x8000  }
0x2d: {  	[sflag:s22] =	ssyncset.done $0x0  }
0x2e: {  	[sflag:s22] =	ssyncadd.s32 $0xFFFF8000  }
0x2f: {  	[tilespmem:s18], [sflag:$0x3] =	stream.linear.gather [hbm4b:s9+s2], $0x400, $0x38;
	[tilespmem:$0x10BC8] =	vst v63  }
0x30: {  	_ = 	snop  }
0x31: {  	[hbm4b:s10+s2] =	stream.linear.scatter [tilespmem:s24], [sflag:$0x5], $0x8000, $0x38;
	[tilespmem:$0x10BC8] =	vst v63  }
0x32: {  	_ =	swait.ge [sflag:s19], $0x400  }
0x33: {  	[sflag:s19] =	ssyncset.done $0x0  }
0x34: {  	[sflag:s19] =	ssyncadd.s32 $0xFFFFFC00  }
0x35: {  	_ =	swait.ge [sflag:s25], $0x8000  }
0x36: {  	[sflag:s25] =	ssyncset.done $0x0  }
0x37: {  	[sflag:s25] =	ssyncadd.s32 $0xFFFF8000  }
0x38: {  	[tilespmem:s21], [sflag:$0x1] =	stream.indirect.gather [spmem:s1], $0x20, s17, s20, $0xb8;
	[tilespmem:$0x10BC8] =	vst v63  }
0x39: {  	_ =	swait.ge [sflag:s22], $0x8000  }
0x3a: {  	[sflag:s22] =	ssyncset.done $0x0  }
0x3b: {  	s29 =	sadd.s32 $0x0, s15;
	[sflag:s22] =	ssyncadd.s32 $0xFFFF8000  }
0x3c: {  	[tilespmem:s17], [sflag:$0x2] =	stream.linear.gather [hbm4b:s29+s2], $0x400, $0x38;
	[tilespmem:$0x10BC8] =	vst v63  }
0x3d: {  	s29 =	sadd.s32 $0xFFFFF000, s14  }
0x3e: {  	[hbm4b:s29+s2] =	stream.linear.scatter [tilespmem:s21], [sflag:$0x4], $0x8000, $0x38;
	[tilespmem:$0x10BC8] =	vst v63  }
0x3f: {  	_ =	swait.ge [sflag:s23], $0x400  }
0x40: {  	[sflag:s23] =	ssyncset.done $0x0  }
0x41: {  	[sflag:s23] =	ssyncadd.s32 $0xFFFFFC00  }
0x42: {  	_ =	swait.ge [sflag:s26], $0x8000  }
0x43: {  	[sflag:s26] =	ssyncset.done $0x0  }
0x44: {  	[sflag:s26] =	ssyncadd.s32 $0xFFFF8000  }
0x45: {  	[tilespmem:s24], [sflag:$0x1] =	stream.indirect.gather [spmem:s1], $0x20, s18, s20, $0xb8;
	[tilespmem:$0x10BC8] =	vst v63  }
0x46: {  	_ =	swait.ge [sflag:s22], $0x8000  }
0x47: {  	[sflag:s22] =	ssyncset.done $0x0  }
0x48: {  	s29 =	sadd.s32 $0x0, s13;
	[sflag:s22] =	ssyncadd.s32 $0xFFFF8000  }
0x49: {  	[tilespmem:s18], [sflag:$0x3] =	stream.linear.gather [hbm4b:s29+s2], $0x400, $0x38;
	[tilespmem:$0x10BC8] =	vst v63  }
0x4a: {  	s30 =	sadd.s32 $0x2000, s14;
	s31 =	smov.u32 s14;
	s29 =	simm.s32 $0x100  }
.LBB2_2:
0x4b: {  	[hbm4b:s31+s2] =	stream.linear.scatter [tilespmem:s24], [sflag:$0x5], $0x8000, $0x38;
	[tilespmem:$0x10BC8] =	vst v63  }
0x4c: {  	s0 =	smov.u32 s29;
	s31 =	smov.u32 s30  }
0x4d: {  	p1 =	sne.s32 s29, $0xD00;
	s29 =	sadd.s32 $0x100, s29;
	_ =	swait.ge [sflag:s19], $0x400  }
0x4e: {  	[sflag:s19] =	ssyncset.done $0x0  }
0x4f: {  	[sflag:s19] =	ssyncadd.s32 $0xFFFFFC00  }
0x50: {  	_ =	swait.ge [sflag:s25], $0x8000  }
0x51: {  	[sflag:s25] =	ssyncset.done $0x0  }
0x52: {  	[sflag:s25] =	ssyncadd.s32 $0xFFFF8000  }
0x53: {  	[tilespmem:s21], [sflag:$0x1] =	stream.indirect.gather [spmem:s1], $0x20, s17, s20, $0xb8;
	[tilespmem:$0x10BC8] =	vst v63  }
0x54: {  	_ =	swait.ge [sflag:s22], $0x8000  }
0x55: {  	[sflag:s22] =	ssyncset.done $0x0  }
0x56: {  	s3 =	sadd.s32 s0, s15;
	[sflag:s22] =	ssyncadd.s32 $0xFFFF8000  }
0x57: {  	[tilespmem:s17], [sflag:$0x2] =	stream.linear.gather [hbm4b:s3+s2], $0x400, $0x38;
	[tilespmem:$0x10BC8] =	vst v63  }
0x58: {  	s3 =	sadd.s32 $0xFFFFF000, s30  }
0x59: {  	[hbm4b:s3+s2] =	stream.linear.scatter [tilespmem:s21], [sflag:$0x4], $0x8000, $0x38;
	[tilespmem:$0x10BC8] =	vst v63  }
0x5a: {  	_ =	swait.ge [sflag:s23], $0x400  }
0x5b: {  	[sflag:s23] =	ssyncset.done $0x0  }
0x5c: {  	[sflag:s23] =	ssyncadd.s32 $0xFFFFFC00  }
0x5d: {  	_ =	swait.ge [sflag:s26], $0x8000  }
0x5e: {  	[sflag:s26] =	ssyncset.done $0x0  }
0x5f: {  	[sflag:s26] =	ssyncadd.s32 $0xFFFF8000  }
0x60: {  	[tilespmem:s24], [sflag:$0x1] =	stream.indirect.gather [spmem:s1], $0x20, s18, s20, $0xb8;
	[tilespmem:$0x10BC8] =	vst v63  }
.Ltmp0:
0x61: {  	_ =	swait.ge [sflag:s22], $0x8000;
	(pc) =	sbr.rel @p1 .LBB2_2-.Ltmp0, $4  }
0x62: {  	[sflag:s22] =	ssyncset.done $0x0  }
0x63: {  	s0 =	sadd.s32 s0, s13;
	[sflag:s22] =	ssyncadd.s32 $0xFFFF8000  }
0x64: {  	[tilespmem:s18], [sflag:$0x3] =	stream.linear.gather [hbm4b:s0+s2], $0x400, $0x38;
	[tilespmem:$0x10BC8] =	vst v63  }
0x65: {  	s30 =	sadd.s32 $0x2000, s30  }
0x66: {  	[hbm4b:s31+s2] =	stream.linear.scatter [tilespmem:s24], [sflag:$0x5], $0x8000, $0x38;
	[tilespmem:$0x10BC8] =	vst v63  }
0x67: {  	_ =	swait.ge [sflag:s19], $0x400  }
0x68: {  	[sflag:s19] =	ssyncset.done $0x0  }
0x69: {  	[sflag:s19] =	ssyncadd.s32 $0xFFFFFC00  }
0x6a: {  	_ =	swait.ge [sflag:s25], $0x8000  }
0x6b: {  	[sflag:s25] =	ssyncset.done $0x0  }
0x6c: {  	[sflag:s25] =	ssyncadd.s32 $0xFFFF8000  }
0x6d: {  	[tilespmem:s21], [sflag:$0x1] =	stream.indirect.gather [spmem:s1], $0x20, s17, s20, $0xb8;
	[tilespmem:$0x10BC8] =	vst v63  }
0x6e: {  	_ =	swait.ge [sflag:s22], $0x8000  }
0x6f: {  	[sflag:s22] =	ssyncset.done $0x0  }
0x70: {  	[sflag:s22] =	ssyncadd.s32 $0xFFFF8000  }
0x71: {  	[hbm4b:s11+s2] =	stream.linear.scatter [tilespmem:s21], [sflag:$0x4], $0x8000, $0x38;
	[tilespmem:$0x10BC8] =	vst v63  }
0x72: {  	_ =	swait.ge [sflag:s23], $0x400  }
0x73: {  	[sflag:s23] =	ssyncset.done $0x0  }
0x74: {  	[sflag:s23] =	ssyncadd.s32 $0xFFFFFC00  }
0x75: {  	_ =	swait.ge [sflag:s26], $0x8000  }
0x76: {  	[sflag:s26] =	ssyncset.done $0x0  }
0x77: {  	[sflag:s26] =	ssyncadd.s32 $0xFFFF8000  }
0x78: {  	[tilespmem:s24], [sflag:$0x1] =	stream.indirect.gather [spmem:s1], $0x20, s18, s20, $0xb8;
	[tilespmem:$0x10BC8] =	vst v63  }
0x79: {  	_ =	swait.ge [sflag:s22], $0x8000  }
0x7a: {  	[sflag:s22] =	ssyncset.done $0x0  }
0x7b: {  	s28 =	sadd.s32 $0x1, s28;
	[sflag:s22] =	ssyncadd.s32 $0xFFFF8000  }
0x7c: {  	[hbm4b:s12+s2] =	stream.linear.scatter [tilespmem:s24], [sflag:$0x5], $0x8000, $0x38;
	[tilespmem:$0x10BC8] =	vst v63  }
0x7d: {  	p1 =	sne.s32 s28, s6;
	_ =	swait.ge [sflag:s25], $0x8000  }
.Ltmp1:
0x7e: {  	[sflag:s25] =	ssyncset.done $0x0;
	(pc) =	sbr.rel @p1 .LBB2_1-.Ltmp1, $4  }
0x7f: {  	[sflag:s25] =	ssyncadd.s32 $0xFFFF8000  }
0x80: {  	_ =	swait.ge [sflag:s26], $0x8000  }
0x81: {  	[sflag:s26] =	ssyncset.done $0x0  }
0x82: {  	[sflag:s26] =	ssyncadd.s32 $0xFFFF8000  }
0x83: {  	_ =	sfence.sel $0x180000  }
0x84: {  	[bflag:$0x0] =	sbarrier.arrive $0xFFFF  }
0x85: {  	_ =	strace $0x90000047  }
0x86: {  	[bflag:$0x2] =	sbarrier.arrive $0xFFFF  }
0x87: {  	s0 =	rddreg [dreg:$0x3]  }
0x88: {  	s0 =	sadd.s32 @!p0 $0x100000, s0  }
0x89: {  	[sflag:s0] =	ssyncadd.tile.s32 @!p0 $0x1;
	_ =	shalt  }
.Lfunc_end2:
_tile_overlayer_lowered:
.L_overlay_start_2:
0x8a: {  	(tag) =	ssettag $0x2  }
0x8b: {  	s0 =	rddreg [dreg:$0x0];
	s2 =	stileid.u32  }
0x8c: {  	s1 =	rddreg [dreg:$0x1];
	p0 =	sne.s32 s2, $0x0  }
0x8d: {  	s3 =	rddreg [dreg:$0x2];
	[bflag:$0x3] =	sbarrier.arrive $0xFFFF;
	s2 =	simm.s32 @!p0 $0x1C06  }
0x8e: {  	[timem:s3], [sflag:s2] =	dma.local @!p0 [hbm:s0], s1  }
0x8f: {  	s0 =	simm.s32 @!p0 $0x6  }
0x90: {  	_ =	swait.ge @!p0 [sflag:s0], s1  }
0x91: {  	s1 =	ssub.s32 @!p0 $0x0, s1;
	[sflag:s0] =	ssyncset.done @!p0 $0x0  }
0x92: {  	[sflag:s0] =	ssyncadd.s32 @!p0 s1  }
0x93: {  	[bflag:$0x3] =	sbarrier.arrive $0xFFFF  }
0x94: {  	_ =	shalt  }

// kernel: sparse-core-data-format-call.cloned.1.call-start
scs
called_computation_lowered:
.L_overlay_start_0:
0x0: {  	s2 =	sld [smem:$0x3FD9]  }
0x1: {  	s3 =	sld [smem:$0x3FFE];
	_ =	sdelay $0x1  }
0x2: {  	s1 =	srdreg.scid  }
0x3: {  	s0 =	sand.u32 $0x1, s1  }
0x4: {  	s18 =	sshll.u32 s0, $0xA;
	s2 =	sadd.s32 s3, s2  }
0x5: {  	s2 =	sadd.s32 s2, s18  }
0x6: {  	[smem:$0x3FC6] =	sst s2  }
0x7: {  	_ = 	snop  }
0x8: {  	s2 =	sld [smem:$0x3FD0];
	(tm) =	ssettm $0x1  }
0x9: {  	s19 =	sld [smem:$0x3FFB];
	_ =	sdelay $0x3  }
0xa: {  	_ =	strace s19  }
0xb: {  	s3 =	sld [smem:$0x3FFC];
	_ =	sdelay $0x3  }
0xc: {  	_ =	strace s3  }
0xd: {  	s3 =	sld [smem:$0x3FFD];
	_ =	sdelay $0x3  }
0xe: {  	_ =	strace s3  }
0xf: {  	_ =	strace $0x8FFFFFFF  }
0x10: {  	s20 =	sld [smem:$0x3FDB];
	_ =	sdelay $0x1  }
0x11: {  	s4 =	simm.s32 $_scs_section_size  }
0x12: {  	s5 =	simm.s32 $_size__tile_overlayer_lowered;
	s6 =	simm.s32 $_tile_overlayer_lowered  }
0x13: {  	s23 =	simm.s32 $0x1BFF;
	s22 =	sshll.u32 s6, $0x1;
	s3 =	sadd.s32 s4, s20  }
0x14: {  	s7 =	simm.s32 $0x0;
	s21 =	sshll.u32 s5, $0x1;
	s5 =	sadd.s32 s22, s3  }
0x15: {  	[timem:s7], [sflag:s23] =	dma.local [hbm:s5], s21  }
0x16: {  	_ =	swait.ge [sflag:s23], s21  }
0x17: {  	s4 =	ssub.s32 $0x0, s21;
	[sflag:s23] =	ssyncset.done $0x0  }
0x18: {  	[sflag:s23] =	ssyncadd.s32 s4;
	_ =	sdelay $0x1  }
0x19: {  	s24 =	simm.s32 $0x1B8B  }
0x1a: {  	_ =	swait.ge [sflag:s24], $0x1  }
0x1b: {  	[sflag:s24] =	ssyncset.done $0x0  }
0x1c: {  	s26 =	simm.s32 $0x1B8E;
	s25 =	sld [smem:$0x3FFE];
	[sflag:s24] =	ssyncadd.s32 $0xFFFFFFFF  }
0x1d: {  	s27 =	simm.s32 $execute0_lowered;
	[smem:$0x3FD2] =	sst s26  }
0x1e: {  	s5 =	sshll.u32 s27, $0x1;
	_ =	strace $0x80000049;
	[dreg:$0x1] =	wrdreg $0xFFFFFFFF  }
0x1f: {  	s28 =	simm.s32 $_size_execute0_lowered;
	s3 =	sadd.s32 s3, s5;
	[dreg:$0x0] =	wrdreg $0x0  }
0x20: {  	s5 =	sshll.u32 s28, $0x1;
	[dreg:$0x2] =	wrdreg s3  }
0x21: {  	[dreg:$0x3] =	wrdreg s5  }
0x22: {  	[dreg:$0x4] =	wrdreg $0xC0  }
0x23: {  	_ =	task [dreg:s7], $0x5FFFF  }
0x24: {  	[dreg:$0x1] =	wrdreg $0xFFFFFFFF  }
0x25: {  	[dreg:$0x0] =	wrdreg $0x60  }
0x26: {  	[dreg:$0x2] =	wrdreg s25  }
0x27: {  	[dreg:$0x3] =	wrdreg s2  }
0x28: {  	[dreg:$0x4] =	wrdreg $0x9  }
0x29: {  	_ =	task.clear_ibuf [dreg:s7], $0x5FFFF;
	_ =	strace $0x90000049  }
0x2a: {  	s29 =	simm.s32 $0x9;
	_ =	strace $0x8000004B  }
0x2b: {  	_ =	swait.ge [sflag:s29], $0x1  }
0x2c: {  	[sflag:s29] =	ssyncadd.s32 $0xFFFFFFFF  }
0x2d: {  	_ =	strace $0x9000004B  }
0x2e: {  	_ =	sfence  }
0x2f: {  	s30 =	sld [smem:$0x0];
	_ =	sdelay $0x2  }
0x30: {  	s31 =	sshll.u32 s1, $0xD;
	s1 =	sshrl.u32 s1, $0x2  }
0x31: {  	s3 =	sand.u32 $0x4000, s31;
	s1 =	sadd.s32 s1, s30  }
0x32: {  	s0 =	sor.u32 s3, s0;
	s1 =	sshll.u32 s1, $0x11  }
0x33: {  	s0 =	sor.u32 s1, s0  }
0x34: {  	s0 =	sadd.s32 $0x8F2B, s0  }
0x35: {  	[sflag:s0] =	ssyncadd.remote.s32 $0x1  }
0x36: {  	_ =	sfence.sel $0xFFFF  }
0x37: {  	[dreg:$0x0] =	wrdreg $0xFFFFFFFF;
	(pc) =	sbr.abs _section_cstart, $3  }
0x38: {  	[dreg:$0x1] =	wrdreg $0xFFFFFFFF  }
0x39: {  	_ =	task.clear_ibuf [dreg:s7], $0x2FFFF;
	_ =	strace $0x9FFFFFFF  }
0x3a: {  	(tm) =	ssettm $0x7FFFFFFF  }
0x3b: {  	_ =	shalt  }
tec
execute0_lowered:
.L_overlay_start_1:
0x0: {  	(tag) =	ssettag $0x1  }
0x1: {  	s1 =	srdreg.scid;
	s14 =	rddreg [dreg:$0x0]  }
0x2: {  	s0 =	stileid.u32;
	s2 =	rddreg [dreg:$0x1];
	s7 =	simm.s32 $0x1  }
0x3: {  	s8 =	simm.s32 $0x2;
	s21 =	simm.s32 $0x0;
	s16 =	simm.s32 $0x1000  }
0x4: {  	s22 =	simm.s32 $0x0;
	s23 =	simm.s32 $0x0;
	s17 =	simm.s32 $0x0  }
0x5: {  	s20 =	simm.s32 $0x0;
	s1 =	sshll.u32 s1, $0x4;
	s4 =	sadd.s32 $0xC00, s14  }
0x6: {  	s9 =	sadd.s32 $0x4C00, s14;
	s10 =	sadd.s32 $0x6C00, s14;
	s1 =	sor.u32 s0, s1  }
0x7: {  	s11 =	sadd.s32 $0x8C00, s14;
	s12 =	sadd.s32 $0xAC00, s14;
	s3 =	sand.u32 $0x18, s1  }
0x8: {  	s13 =	sadd.s32 $0xCC00, s14;
	s1 =	rddreg [dreg:$0x2];
	s6 =	ssub.s32 $0x200, s3  }
0x9: {  	_ =	strace $0x8000004A;
	s18 =	smov.u32 s3;
	s5 =	sand.u32 $0x18, s6  }
.Ltmp0:
0xa: {  	p0 =	sne.s32 s5, $0x0;
	s5 =	simm.s32 $0x1;
	(pc) =	sbr.rel .LBB1_1-.Ltmp0, $4  }
0xb: {  	s6 =	sshrl.u32 s6, $0x5;
	s7 =	simm.s32 @!p0 $0x0;
	[sflag:s5] =	ssyncpa.u1 $0x0  }
0xc: {  	p0 =	por $0x0, $0x0;
	s7 =	sadd.s32 s7, s6;
	s6 =	sand.u32 $0x7, s0  }
0xd: {  	[sflag:s8] =	ssyncpa.u1 $0x0;
	s8 =	sadd.s32 $0x2C00, s14;
	s7 =	sshll.u32 s7, $0x2  }
0xe: {  	s14 =	sadd.s32 $0xEC00, s14;
	s19 =	smov.u32 s6;
	s15 =	sor.u32 $0x1, s7  }
.LBB1_7:
0xf: {  	s24 =	sadd.s32 $0x80, s17  }
0x10: {  	s21 =	sadd.s32 $0x20, s18;
	s25 =	smov.u32 s18;
	p2 =	sgt.s32 s24, $0x1FF  }
0x11: {  	s25 =	smov.u32 @p2 s21  }
0x12: {  	s27 =	smov.u32 s19;
	s21 =	sadd.s32 $0x8, s19;
	p3 =	sgt.s32 s25, $0x1FF  }
0x13: {  	s27 =	smov.u32 @p3 s21  }
0x14: {  	s24 =	simm.s32 @p2 $0x0;
	p2 =	sgt.s32 s27, $0x7  }
0x15: {  	p1 =	slt.u32 s20, $0x2;
	s27 =	smov.u32 @p2 s6;
	p2 =	sne.s32 s20, s15  }
.Ltmp1:
0x16: {  	s26 =	simm.s32 @!p1 $0x2;
	(pc) =	sbr.rel @!p2 .LBB1_8-.Ltmp1, $4  }
0x17: {  	s22 =	smov.u32 s18;
	s23 =	smov.u32 s19;
	_ =	swait.ge @!p1 [sflag:s26], $0x4000  }
0x18: {  	p0 =	por !p0, !p0;
	[sflag:s26] =	ssyncset.done @!p1 $0x0;
	s25 =	smov.u32 @p3 s3  }
0x19: {  	s21 =	smov.u32 s17;
	[sflag:s26] =	ssyncadd.s32 @!p1 $0xFFFFC000;
	s17 =	smov.u32 s24  }
0x1a: {  	s18 =	smov.u32 s25;
	s20 =	sadd.s32 $0x1, s20;
	s19 =	smov.u32 s27  }
.LBB1_1:
0x1b: {  	p1 =	sge.u32 s20, s7  }
0x1c: {  	s24 =	sxor.u32 @!p1 $0xFFFFFFFF, s20;
	s25 =	sshll.u32 @!p1 s19, $0x16;
	s26 =	sshll.u32 @!p1 s18, $0xD  }
0x1d: {  	s28 =	sshll.u32 @!p1 s17, $0x4;
	s29 =	simm.s32 @!p1 $0x10;
	s27 =	sadd.s32 @!p1 s25, s26  }
0x1e: {  	s24 =	sshll.u32 @!p1 s24, $0xE;
	s28 =	sand.u32 @!p1 $0x1FF0, s28;
	s27 =	sadd.s32 @!p1 s4, s27  }
0x1f: {  	s30 =	simm.s32 @!p1 $0x80;
	s24 =	sand.u32 @!p1 $0x4000, s24;
	s27 =	sadd.s32 @!p1 s28, s27  }
0x20: {  	[tilespmem:s24], [sflag:$0x1] =	stream.strided.gather @!p1 [hbm4b:s27+s29], $0x800, s30, s29, $0x38;
	[tilespmem:$0x10100] =	vst v63  }
0x21: {  	s27 =	sadd.s32 @!p1 s25, s8  }
0x22: {  	s27 =	sadd.s32 @!p1 s26, s27  }
0x23: {  	s31 =	sor.u32 @!p1 $0x800, s24;
	s27 =	sadd.s32 @!p1 s28, s27  }
0x24: {  	[tilespmem:s31], [sflag:$0x1] =	stream.strided.gather @!p1 [hbm4b:s27+s29], $0x800, s30, s29, $0x38;
	[tilespmem:$0x10100] =	vst v63  }
0x25: {  	s27 =	sadd.s32 @!p1 s25, s9  }
0x26: {  	s27 =	sadd.s32 @!p1 s26, s27  }
0x27: {  	s31 =	sor.u32 @!p1 $0x1000, s24;
	s27 =	sadd.s32 @!p1 s28, s27  }
0x28: {  	[tilespmem:s31], [sflag:$0x1] =	stream.strided.gather @!p1 [hbm4b:s27+s29], $0x800, s30, s29, $0x38;
	[tilespmem:$0x10100] =	vst v63  }
0x29: {  	s27 =	sadd.s32 @!p1 s25, s10  }
0x2a: {  	s27 =	sadd.s32 @!p1 s26, s27  }
0x2b: {  	s31 =	sor.u32 @!p1 $0x1800, s24;
	s27 =	sadd.s32 @!p1 s28, s27  }
0x2c: {  	[tilespmem:s31], [sflag:$0x1] =	stream.strided.gather @!p1 [hbm4b:s27+s29], $0x800, s30, s29, $0x38;
	[tilespmem:$0x10100] =	vst v63  }
0x2d: {  	s27 =	sadd.s32 @!p1 s25, s11  }
0x2e: {  	s27 =	sadd.s32 @!p1 s26, s27  }
0x2f: {  	s31 =	sor.u32 @!p1 $0x2000, s24;
	s27 =	sadd.s32 @!p1 s28, s27  }
0x30: {  	[tilespmem:s31], [sflag:$0x1] =	stream.strided.gather @!p1 [hbm4b:s27+s29], $0x800, s30, s29, $0x38;
	[tilespmem:$0x10100] =	vst v63  }
0x31: {  	s27 =	sadd.s32 @!p1 s25, s12  }
0x32: {  	s27 =	sadd.s32 @!p1 s26, s27  }
0x33: {  	s31 =	sor.u32 @!p1 $0x2800, s24;
	s27 =	sadd.s32 @!p1 s28, s27  }
0x34: {  	[tilespmem:s31], [sflag:$0x1] =	stream.strided.gather @!p1 [hbm4b:s27+s29], $0x800, s30, s29, $0x38;
	[tilespmem:$0x10100] =	vst v63  }
0x35: {  	s27 =	sadd.s32 @!p1 s25, s13  }
0x36: {  	s25 =	sadd.s32 @!p1 s25, s14;
	s27 =	sadd.s32 @!p1 s26, s27  }
0x37: {  	s31 =	sor.u32 @!p1 $0x3000, s24;
	s25 =	sadd.s32 @!p1 s26, s25;
	s27 =	sadd.s32 @!p1 s28, s27  }
0x38: {  	[tilespmem:s31], [sflag:$0x1] =	stream.strided.gather @!p1 [hbm4b:s27+s29], $0x800, s30, s29, $0x38;
	[tilespmem:$0x10100] =	vst v63  }
0x39: {  	s24 =	sor.u32 @!p1 $0x3800, s24;
	s25 =	sadd.s32 @!p1 s28, s25;
	s31 =	sadd.s32 $0xFFFFFFFF, s20  }
0x3a: {  	[tilespmem:s24], [sflag:$0x1] =	stream.strided.gather @!p1 [hbm4b:s25+s29], $0x800, s30, s29, $0x38;
	[tilespmem:$0x10100] =	vst v63  }
0x3b: {  	p1 =	sge.u32 s31, s7  }
.Ltmp2:
0x3c: {  	_ = 	snop;
	(pc) =	sbr.rel @p1 .LBB1_7-.Ltmp2, $1  }
0x3d: {  	_ =	sdelay $0x3  }
0x3e: {  	s24 =	simm.s32 $0x1;
	s26 =	sand.u32 $0x1, s20  }
0x3f: {  	_ =	swait.ge [sflag:s5], $0x4000;
	s24 =	simm.s32 @!p0 $0x0;
	s27 =	smul.u32 $0x10200, s26  }
0x40: {  	[sflag:s5] =	ssyncset.done $0x0;
	s25 =	smul.u32 $0x10200, s24  }
0x41: {  	s24 =	sshll.u32 s24, $0xE;
	[sflag:s5] =	ssyncadd.s32 $0xFFFFC000  }
0x42: {  	s26 =	sor.u32 $0x40, s24;
	s31 =	sshrl.u32 s27, $0x2;
	s25 =	sshrl.u32 s25, $0x2  }
0x43: {  	s27 =	simm.s32 $0x0;
	s24 =	sor.u32 $0x8000, s31;
	s25 =	sor.u32 $0x8007, s25  }
.LBB1_3:
0x44: {  	v3 =	vld [tilespmem:s26+$0x30]  }
0x45: {  	v4 =	vld [tilespmem:s26+$0xFFFFFFD0]  }
0x46: {  	v5 =	vld [tilespmem:s26+$0xFFFFFFE0]  }
0x47: {  	v1 =	vld [tilespmem:s26+$0xFFFFFFF0]  }
0x48: {  	v0 =	vld [tilespmem:s26+$0x0]  }
0x49: {  	v2 =	vld [tilespmem:s26+$0x10];
	[tilespmem:s25+$0x0 ss:$0x81] =	vst.msk $0xffff, v3  }
0x4a: {  	[tilespmem:s25+$0xFFFFFFFA ss:$0x81] =	vst.msk $0xffff, v4;
	v4 =	vld [tilespmem:s26+$0x20]  }
0x4b: {  	s29 =	simm.s32 $0x0;
	s30 =	sadd.s32 $0x80, s26;
	s28 =	smov.u32 s25;
	v3 =	vld [tilespmem:s26+$0xFFFFFFC0];
	[tilespmem:s25+$0xFFFFFFFB ss:$0x81] =	vst.msk $0xffff, v5  }
.LBB1_4:
0x4c: {  	v5 =	vld [tilespmem:s30+$0x30];
	s29 =	sadd.s32 $0x8, s29;
	[tilespmem:s28+$0xFFFFFFFC ss:$0x81] =	vst.msk $0xffff, v1  }
0x4d: {  	v6 =	vld [tilespmem:s30+$0xFFFFFFD0];
	p1 =	slt.u32 s29, $0x78;
	[tilespmem:s28+$0xFFFFFFFD ss:$0x81] =	vst.msk $0xffff, v0  }
0x4e: {  	v7 =	vld [tilespmem:s30+$0xFFFFFFE0];
	[tilespmem:s28+$0xFFFFFFFE ss:$0x81] =	vst.msk $0xffff, v2  }
.Ltmp3:
0x4f: {  	v1 =	vld [tilespmem:s30+$0xFFFFFFF0];
	[tilespmem:s28+$0xFFFFFFFF ss:$0x81] =	vst.msk $0xffff, v4;
	(pc) =	sbr.rel @p1 .LBB1_4-.Ltmp3, $4  }
0x50: {  	v0 =	vld [tilespmem:s30+$0x0];
	[tilespmem:s28+$0xFFFFFFF9 ss:$0x81] =	vst.msk $0xffff, v3;
	s28 =	sadd.s32 $0x8, s28  }
0x51: {  	v2 =	vld [tilespmem:s30+$0x10];
	[tilespmem:s28+$0x0 ss:$0x81] =	vst.msk $0xffff, v5  }
0x52: {  	[tilespmem:s28+$0xFFFFFFFA ss:$0x81] =	vst.msk $0xffff, v6;
	v4 =	vld [tilespmem:s30+$0x20]  }
0x53: {  	v3 =	vld [tilespmem:s30+$0xFFFFFFC0];
	[tilespmem:s28+$0xFFFFFFFB ss:$0x81] =	vst.msk $0xffff, v7;
	s30 =	sadd.s32 $0x80, s30  }
0x54: {  	s27 =	sadd.s32 $0x1, s27  }
0x55: {  	p1 =	sne.s32 s27, $0x8  }
.Ltmp4:
0x56: {  	[tilespmem:s28+$0xFFFFFFFC ss:$0x81] =	vst.msk $0xffff, v1;
	(pc) =	sbr.rel @p1 .LBB1_3-.Ltmp4, $4  }
0x57: {  	[tilespmem:s28+$0xFFFFFFFD ss:$0x81] =	vst.msk $0xffff, v0  }
0x58: {  	[tilespmem:s28+$0xFFFFFFFE ss:$0x81] =	vst.msk $0xffff, v2  }
0x59: {  	[tilespmem:s28+$0xFFFFFFFF ss:$0x81] =	vst.msk $0xffff, v4  }
0x5a: {  	s25 =	sadd.s32 $0x810, s25;
	s26 =	sadd.s32 $0x800, s26;
	[tilespmem:s28+$0xFFFFFFF9 ss:$0x81] =	vst.msk $0xffff, v3  }
0x5b: {  	s23 =	sshll.u32 s23, $0x13;
	s25 =	sand.u32 $0x380, s21  }
.Ltmp5:
0x5c: {  	s22 =	sshll.u32 s22, $0xA;
	s23 =	sadd.s32 s2, s23;
	(pc) =	sbr.rel .LBB1_7-.Ltmp5, $4  }
0x5d: {  	s26 =	sshrl.u32 s21, $0x3;
	s30 =	sand.u32 $0x7, s21;
	s22 =	sadd.s32 s22, s23  }
0x5e: {  	s31 =	sand.u32 $0xF, s26;
	s21 =	sshll.u32 s30, $0x12;
	s22 =	sadd.s32 s25, s22  }
0x5f: {  	s21 =	sor.u32 $0x400, s21;
	s22 =	sadd.s32 s31, s22  }
0x60: {  	[hbm4b:s22+s21] =	stream.strided.scatter [tilespmem:s24], [sflag:$0x2], $0x4000, s16, s21, $0x20;
	[tilespmem:$0x10100] =	vst v63  }
.LBB1_8:
0x61: {  	_ =	sfence.sel $0x180000  }
0x62: {  	s2 =	simm.s32 $0x1;
	[bflag:$0x0] =	sbarrier.arrive $0xFFFF  }
0x63: {  	s31 =	simm.s32 $0x2;
	[sflag:s2] =	ssyncpa.u1 $0x1  }
0x64: {  	[sflag:s31] =	ssyncpa.u1 $0x1  }
0x65: {  	p0 =	sne.s32 s0, $0x0;
	_ =	strace $0x9000004A  }
0x66: {  	s0 =	sadd.s32 @!p0 $0x100000, s1;
	[bflag:$0x2] =	sbarrier.arrive $0xFFFF  }
0x67: {  	[sflag:s0] =	ssyncadd.tile.s32 @!p0 $0x1;
	_ =	shalt  }
.Lfunc_end1:
_tile_overlayer_lowered:
.L_overlay_start_2:
0x68: {  	(tag) =	ssettag $0x2  }
0x69: {  	s0 =	rddreg [dreg:$0x0];
	s2 =	stileid.u32  }
0x6a: {  	s1 =	rddreg [dreg:$0x1];
	p0 =	sne.s32 s2, $0x0  }
0x6b: {  	s3 =	rddreg [dreg:$0x2];
	[bflag:$0x3] =	sbarrier.arrive $0xFFFF;
	s2 =	simm.s32 @!p0 $0x1C01  }
0x6c: {  	[timem:s3], [sflag:s2] =	dma.local @!p0 [hbm:s0], s1  }
0x6d: {  	s0 =	simm.s32 @!p0 $0x1  }
0x6e: {  	_ =	swait.ge @!p0 [sflag:s0], s1  }
0x6f: {  	s1 =	ssub.s32 @!p0 $0x0, s1;
	[sflag:s0] =	ssyncset.done @!p0 $0x0  }
0x70: {  	[sflag:s0] =	ssyncadd.s32 @!p0 s1  }
0x71: {  	[bflag:$0x3] =	sbarrier.arrive $0xFFFF  }
0x72: {  	_ =	shalt  }

</sc_bundles>
